<compile_context>
chip_gen: v7x
topology: tpu7x:2x2x1
jax: 0.10.2.dev20260603
libtpu: 0.0.44.dev20260713+nightly
codegen_flags: <defaults>
</compile_context>

<pallas_src>
import functools

import jax
import jax.numpy as jnp
from jax import lax
from jax.experimental import pallas as pl
from jax.experimental.pallas import tpu as pltpu
from jax.experimental.pallas import tpu_sc as plsc

VOCAB = 100000
EMBED = 128
CTX = 200
HID = 64

_NC, _NS = 2, 16
_BPW = 8
_NWORK = CTX // _BPW

TILE = 12800
NT = -(-VOCAB // TILE)


def _make_sc_gather():
    mesh = plsc.VectorSubcoreMesh(core_axis_name="c", subcore_axis_name="s")

    @functools.partial(
        pl.kernel,
        mesh=mesh,
        out_type=jax.ShapeDtypeStruct((CTX, EMBED), jnp.float32),
        scratch_types=[
            pltpu.VMEM((_BPW,), jnp.int32),
            pltpu.VMEM((_BPW, EMBED), jnp.float32),
            pltpu.SemaphoreType.DMA,
        ],
    )
    def sc_gather(idx_hbm, table_hbm, out_hbm, idx_v, rows_v, sem):
        wid = lax.axis_index("s") * _NC + lax.axis_index("c")

        @pl.when(wid < _NWORK)
        def _():
            base = wid * _BPW
            pltpu.sync_copy(idx_hbm.at[pl.ds(base, _BPW)], idx_v)
            pltpu.async_copy(table_hbm.at[idx_v], rows_v, sem).wait()
            pltpu.sync_copy(rows_v, out_hbm.at[pl.ds(base, _BPW)])

    return sc_gather


_sc_gather_cache = []


def _sc_gather(idx, table):
    if not _sc_gather_cache:
        _sc_gather_cache.append(_make_sc_gather())
    return _sc_gather_cache[0](idx, table)


def _mlp_body(e_ref, w1_ref, b1_ref, w2t_ref, b2_ref, out_ref, logz_ref,
              h_ref, m_ref, l_ref):
    s = pl.program_id(0)

    @pl.when(s == 0)
    def _():
        h = lax.dot_general(
            e_ref[...], w1_ref[...], (((1,), (1,)), ((), ())),
            preferred_element_type=jnp.float32,
        )
        h_ref[...] = jnp.maximum(h + b1_ref[...], 0.0)
        m_ref[0, 0] = -jnp.inf
        l_ref[0, 0] = 0.0

    o = lax.dot_general(
        h_ref[...], w2t_ref[...], (((1,), (0,)), ((), ())),
        preferred_element_type=jnp.float32,
    ) + b2_ref[...]
    out_ref[...] = o

    col = s * TILE + lax.broadcasted_iota(jnp.int32, o.shape, 1)
    om = jnp.where(col < VOCAB, o, -jnp.inf)
    m_old = m_ref[0, 0]
    m_new = jnp.maximum(m_old, jnp.max(om))
    l_new = l_ref[0, 0] * jnp.exp(m_old - m_new) + jnp.sum(jnp.exp(om - m_new))
    m_ref[0, 0] = m_new
    l_ref[0, 0] = l_new

    @pl.when(s == NT - 1)
    def _():
        logz_ref[0, 0] = m_new + jnp.log(l_new)


def kernel(inputs, table, W1, b1, W2, b2):
    rows = _sc_gather(inputs, table)
    e = rows.reshape(1, CTX * EMBED)
    w2t = W2.T

    o_raw, logz = pl.pallas_call(
        _mlp_body,
        grid=(NT,),
        in_specs=[
            pl.BlockSpec((1, CTX * EMBED), lambda s: (0, 0)),
            pl.BlockSpec((HID, CTX * EMBED), lambda s: (0, 0)),
            pl.BlockSpec((1, HID), lambda s: (0, 0)),
            pl.BlockSpec((HID, TILE), lambda s: (0, s)),
            pl.BlockSpec((1, TILE), lambda s: (0, s)),
        ],
        out_specs=[
            pl.BlockSpec((1, TILE), lambda s: (0, s)),
            pl.BlockSpec(memory_space=pltpu.SMEM),
        ],
        out_shape=[
            jax.ShapeDtypeStruct((1, VOCAB), jnp.float32),
            jax.ShapeDtypeStruct((1, 1), jnp.float32),
        ],
        scratch_shapes=[
            pltpu.VMEM((1, HID), jnp.float32),
            pltpu.SMEM((1, 1), jnp.float32),
            pltpu.SMEM((1, 1), jnp.float32),
        ],
    )(e, W1, b1.reshape(1, HID), w2t, b2.reshape(1, VOCAB))
    return o_raw - logz

# --- scband reference (transcript-rebuilt; emitter-appended) ---
"""Pipeline reference for scband-lang-model-46909632807096 (READ-ONLY COPY).

The authoritative reference and input builder live on the scoring server;
editing this copy changes nothing except your own understanding.
"""

import jax, jax.numpy as jnp
import numpy as np

VOCAB = 100000
EMBED = 128
CTX = 200
HID = EMBED // 2


def setup_inputs(seed: int = 0) -> dict:
    key = jax.random.key(seed)
    ks = jax.random.split(key, 6)
    inputs = jax.random.randint(ks[0], (CTX,), 0, VOCAB, dtype=jnp.int32)
    table = jax.random.normal(ks[1], (VOCAB, EMBED), dtype=jnp.float32) * 0.02
    W1 = jax.random.normal(ks[2], (HID, CTX * EMBED), dtype=jnp.float32) * 0.02
    b1 = jnp.zeros((HID,), dtype=jnp.float32)
    W2 = jax.random.normal(ks[3], (VOCAB, HID), dtype=jnp.float32) * 0.02
    b2 = jnp.zeros((VOCAB,), dtype=jnp.float32)
    return {"inputs": inputs, "table": table, "W1": W1, "b1": b1, "W2": W2, "b2": b2}


def reference(inputs, table, W1, b1, W2, b2):
    # embeds = self.embeds(inputs).view((1, -1))
    e = jnp.take(table, inputs, axis=0).reshape(1, -1)
    # out = F.relu(self.dense1(embeds))
    h = jax.nn.relu(e @ W1.T + b1)
    # out = self.dense2(out)
    o = h @ W2.T + b2
    # return F.log_softmax(out, dim=1)
    return jax.nn.log_softmax(o, axis=1)

if __name__ == "__main__":
    import jax
    _d = setup_inputs()
    print(jax.jit(kernel)(*tuple(_d.values())))

</pallas_src>

<mosaic_0001>
#map = affine_map<(d0, d1) -> (0)>
#map1 = affine_map<(d0, d1) -> (0, 0)>
module attributes {stable_mosaic.version = 14 : i64} {
  func.func @sc_gather(%arg0: i32, %arg1: i32, %arg2: memref<200xi32, #tpu.memory_space<hbm>>, %arg3: memref<100000x128xf32, #tpu.memory_space<hbm>>, %arg4: memref<200x128xf32, #tpu.memory_space<hbm>>, %arg5: memref<8xi32, #tpu.memory_space<vmem>>, %arg6: memref<8x128xf32, #tpu.memory_space<vmem>>, %arg7: memref<!tpu.dma_semaphore, #tpu.memory_space<semaphore_mem>>) attributes {dimension_semantics = [#tpu.dimension_semantics<core_parallel>, #tpu.dimension_semantics<subcore_parallel>], iteration_bounds = array<i64: 2, 16>, scalar_prefetch = 0 : i64, scratch_operands = 3 : i64, tpu.core_type = #tpu.core_type<sc_vector_subcore>, window_params = [{transform_indices = #map}, {transform_indices = #map1}, {transform_indices = #map1}]} {
    %mul3A = arith.constant 2 : i32
    %mul3A_0 = arith.muli %arg1, %mul3A : i32
    %add3A = arith.addi %mul3A_0, %arg0 : i32
    %lt3A = arith.constant 25 : i32
    %lt3A_1 = arith.cmpi slt, %add3A, %lt3A : i32
    %convert_element_type3A = arith.extui %lt3A_1 : i1 to i32
    %cond3A = arith.constant 0 : i32
    %cond3A_2 = arith.cmpi ne, %convert_element_type3A, %cond3A : i32
    scf.if %cond3A_2 {
      %mul3A_3 = arith.constant 8 : i32
      %mul3A_4 = arith.muli %add3A, %mul3A_3 : i32
      "tpu.region"() ({
        %run_scoped3A = tpu.sem_alloc : memref<!tpu.dma_semaphore, #tpu.memory_space<semaphore_mem>>
        %dma_start3A_9 = tpu.memref_slice %arg2[%mul3A_4] : memref<200xi32, #tpu.memory_space<hbm>> -> memref<8xi32, #tpu.memory_space<hbm>>
        %dma_start3A_10 = tpu.memref_slice %arg2[%mul3A_4] : memref<200xi32, #tpu.memory_space<hbm>> -> memref<8xi32, #tpu.memory_space<hbm>>
        tpu.enqueue_dma source(%dma_start3A_10 : memref<8xi32, #tpu.memory_space<hbm>>) target(%arg5 : memref<8xi32, #tpu.memory_space<vmem>>) target_semaphore(%run_scoped3A : memref<!tpu.dma_semaphore, #tpu.memory_space<semaphore_mem>>)
        %dma_wait3A_11 = tpu.memref_slice %arg2[%mul3A_4] : memref<200xi32, #tpu.memory_space<hbm>> -> memref<8xi32, #tpu.memory_space<hbm>>
        %dma_wait3A_12 = tpu.memref_slice %arg2[%mul3A_4] : memref<200xi32, #tpu.memory_space<hbm>> -> memref<8xi32, #tpu.memory_space<hbm>>
        tpu.wait_dma2 semaphore(%run_scoped3A : memref<!tpu.dma_semaphore, #tpu.memory_space<semaphore_mem>>) src(%dma_wait3A_12 : memref<8xi32, #tpu.memory_space<hbm>>) dst(%arg5 : memref<8xi32, #tpu.memory_space<vmem>>)
        tpu.yield
      }) : () -> ()
      %dma_start3A = arith.constant 0 : i32
      %dma_start3A_5 = arith.constant 0 : i32
      %dma_start3A_6 = tpu.memref_slice %arg3[%dma_start3A, %dma_start3A_5] : memref<100000x128xf32, #tpu.memory_space<hbm>> -> memref<100000x128xf32, #tpu.memory_space<hbm>>
      tpu.enqueue_indirect_dma source(%dma_start3A_6 : memref<100000x128xf32, #tpu.memory_space<hbm>>) target(%arg6 : memref<8x128xf32, #tpu.memory_space<vmem>>) offsets(%arg5 : memref<8xi32, #tpu.memory_space<vmem>>) semaphore(%arg7 : memref<!tpu.dma_semaphore, #tpu.memory_space<semaphore_mem>>)
      %dma_wait3A = arith.constant 0 : i32
      %dma_wait3A_7 = arith.constant 0 : i32
      %dma_wait3A_8 = tpu.memref_slice %arg3[%dma_wait3A, %dma_wait3A_7] : memref<100000x128xf32, #tpu.memory_space<hbm>> -> memref<100000x128xf32, #tpu.memory_space<hbm>>
      tpu.wait_indirect_dma semaphore(%arg7 : memref<!tpu.dma_semaphore, #tpu.memory_space<semaphore_mem>>) src(%dma_wait3A_8 : memref<100000x128xf32, #tpu.memory_space<hbm>>) dst(%arg6 : memref<8x128xf32, #tpu.memory_space<vmem>>)
      "tpu.region"() ({
        %run_scoped3A = tpu.sem_alloc : memref<!tpu.dma_semaphore, #tpu.memory_space<semaphore_mem>>
        %dma_start3A_9 = arith.constant 0 : i32
        %dma_start3A_10 = tpu.memref_slice %arg4[%mul3A_4, %dma_start3A_9] : memref<200x128xf32, #tpu.memory_space<hbm>> -> memref<8x128xf32, #tpu.memory_space<hbm>>
        %dma_start3A_11 = arith.constant 0 : i32
        %dma_start3A_12 = tpu.memref_slice %arg4[%mul3A_4, %dma_start3A_11] : memref<200x128xf32, #tpu.memory_space<hbm>> -> memref<8x128xf32, #tpu.memory_space<hbm>>
        tpu.enqueue_dma source(%arg6 : memref<8x128xf32, #tpu.memory_space<vmem>>) target(%dma_start3A_12 : memref<8x128xf32, #tpu.memory_space<hbm>>) target_semaphore(%run_scoped3A : memref<!tpu.dma_semaphore, #tpu.memory_space<semaphore_mem>>)
        %dma_wait3A_13 = arith.constant 0 : i32
        %dma_wait3A_14 = tpu.memref_slice %arg4[%mul3A_4, %dma_wait3A_13] : memref<200x128xf32, #tpu.memory_space<hbm>> -> memref<8x128xf32, #tpu.memory_space<hbm>>
        %dma_wait3A_15 = arith.constant 0 : i32
        %dma_wait3A_16 = tpu.memref_slice %arg4[%mul3A_4, %dma_wait3A_15] : memref<200x128xf32, #tpu.memory_space<hbm>> -> memref<8x128xf32, #tpu.memory_space<hbm>>
        tpu.wait_dma2 semaphore(%run_scoped3A : memref<!tpu.dma_semaphore, #tpu.memory_space<semaphore_mem>>) src(%arg6 : memref<8x128xf32, #tpu.memory_space<vmem>>) dst(%dma_wait3A_16 : memref<8x128xf32, #tpu.memory_space<hbm>>)
        tpu.yield
      }) : () -> ()
    } else {
    }
    return
  }
}

module attributes {stable_mosaic.version = 14 : i64} {
  func.func @_mlp_body(%arg0: i32, %arg1: memref<1x25600xf32, #tpu.memory_space<vmem>>, %arg2: memref<64x25600xf32, #tpu.memory_space<vmem>>, %arg3: memref<1x64xf32, #tpu.memory_space<vmem>>, %arg4: memref<64x12800xf32, #tpu.memory_space<vmem>>, %arg5: memref<1x12800xf32, #tpu.memory_space<vmem>>, %arg6: memref<1x12800xf32, #tpu.memory_space<vmem>>, %arg7: memref<1x1xf32, #tpu.memory_space<smem>>, %arg8: memref<1x64xf32, #tpu.memory_space<vmem>>, %arg9: memref<1x1xf32, #tpu.memory_space<smem>>, %arg10: memref<1x1xf32, #tpu.memory_space<smem>>) attributes {dimension_semantics = [#tpu.dimension_semantics<arbitrary>], iteration_bounds = array<i64: 8>, scalar_prefetch = 0 : i64, scratch_operands = 3 : i64, tpu.core_type = #tpu.core_type<tc>, window_params = [{pipeline_mode = #tpu.pipeline_mode<synchronous>, transform_indices = @transform_0, window_bounds = array<i64: 1, 25600>}, {pipeline_mode = #tpu.pipeline_mode<synchronous>, transform_indices = @transform_1, window_bounds = array<i64: 64, 25600>}, {pipeline_mode = #tpu.pipeline_mode<synchronous>, transform_indices = @transform_2, window_bounds = array<i64: 1, 64>}, {transform_indices = @transform_3, window_bounds = array<i64: 64, 12800>}, {transform_indices = @transform_4, window_bounds = array<i64: 1, 12800>}, {transform_indices = @transform_5, window_bounds = array<i64: 1, 12800>}, {transform_indices = @transform_6, window_bounds = array<i64: 1, 1>}]} {
    %eq3A = arith.constant 0 : i32
    %eq3A_0 = arith.cmpi eq, %arg0, %eq3A : i32
    %convert_element_type3A = arith.extui %eq3A_0 : i1 to i32
    %cond3A = arith.constant 0 : i32
    %cond3A_1 = arith.cmpi ne, %convert_element_type3A, %cond3A : i32
    scf.if %cond3A_1 {
      %get3A_48 = arith.constant 0 : index
      %get3A_49 = arith.constant 0 : index
      %get3A_50 = vector.load %arg1[%get3A_48, %get3A_49] : memref<1x25600xf32, #tpu.memory_space<vmem>>, vector<1x25600xf32>
      %get3A_51 = arith.constant 0 : index
      %get3A_52 = arith.constant 0 : index
      %get3A_53 = vector.load %arg2[%get3A_51, %get3A_52] : memref<64x25600xf32, #tpu.memory_space<vmem>>, vector<64x25600xf32>
      %dot_general3A_54 = arith.constant dense<0.000000e+00> : vector<1x64xf32>
      %dot_general3A_55 = tpu.matmul %get3A_50, %get3A_53, %dot_general3A_54 {dimension_numbers = #tpu.dot_dimension_numbers<[1], [1], [0], [0], [0, 0, 1, 0], [], []>, transpose_lhs_hint = false} : vector<1x25600xf32>, vector<64x25600xf32>, vector<1x64xf32> -> vector<1x64xf32>
      %get3A_56 = arith.constant 0 : index
      %get3A_57 = arith.constant 0 : index
      %get3A_58 = vector.load %arg3[%get3A_56, %get3A_57] : memref<1x64xf32, #tpu.memory_space<vmem>>, vector<1x64xf32>
      %add3A_59 = arith.addf %dot_general3A_55, %get3A_58 : vector<1x64xf32>
      %max3A_60 = arith.constant 0.000000e+00 : f32
      %max3A_61 = vector.broadcast %max3A_60 : f32 to vector<1x64xf32>
      %max3A_62 = arith.maximumf %add3A_59, %max3A_61 : vector<1x64xf32>
      %swap3A_63 = arith.constant 0 : index
      %swap3A_64 = arith.constant 0 : index
      %swap3A_65 = vector.load %arg8[%swap3A_63, %swap3A_64] : memref<1x64xf32, #tpu.memory_space<vmem>>, vector<1x64xf32>
      tpu.vector_store %arg8[%swap3A_63, %swap3A_64], %max3A_62 {strides = array<i32>} : memref<1x64xf32, #tpu.memory_space<vmem>>, vector<1x64xf32>,
      %swap3A_66 = arith.constant 0xFF800000 : f32
      %swap3A_67 = arith.constant 0 : index
      %swap3A_68 = arith.constant 0 : index
      %swap3A_69 = memref.load %arg9[%swap3A_67, %swap3A_68] : memref<1x1xf32, #tpu.memory_space<smem>>
      memref.store %swap3A_66, %arg9[%swap3A_67, %swap3A_68] : memref<1x1xf32, #tpu.memory_space<smem>>
      %swap3A_70 = arith.constant 0.000000e+00 : f32
      %swap3A_71 = arith.constant 0 : index
      %swap3A_72 = arith.constant 0 : index
      %swap3A_73 = memref.load %arg10[%swap3A_71, %swap3A_72] : memref<1x1xf32, #tpu.memory_space<smem>>
      memref.store %swap3A_70, %arg10[%swap3A_71, %swap3A_72] : memref<1x1xf32, #tpu.memory_space<smem>>
    } else {
    }
    %get3A = arith.constant 0 : index
    %get3A_2 = arith.constant 0 : index
    %get3A_3 = vector.load %arg8[%get3A, %get3A_2] : memref<1x64xf32, #tpu.memory_space<vmem>>, vector<1x64xf32>
    %get3A_4 = arith.constant 0 : index
    %get3A_5 = arith.constant 0 : index
    %get3A_6 = vector.load %arg4[%get3A_4, %get3A_5] : memref<64x12800xf32, #tpu.memory_space<vmem>>, vector<64x12800xf32>
    %dot_general3A = arith.constant dense<0.000000e+00> : vector<1x12800xf32>
    %dot_general3A_7 = tpu.matmul %get3A_3, %get3A_6, %dot_general3A {dimension_numbers = #tpu.dot_dimension_numbers<[1], [0], [0], [1], [0, 0, 1, 1], [], []>, transpose_lhs_hint = false} : vector<1x64xf32>, vector<64x12800xf32>, vector<1x12800xf32> -> vector<1x12800xf32>
    %get3A_8 = arith.constant 0 : index
    %get3A_9 = arith.constant 0 : index
    %get3A_10 = vector.load %arg5[%get3A_8, %get3A_9] : memref<1x12800xf32, #tpu.memory_space<vmem>>, vector<1x12800xf32>
    %add3A = arith.addf %dot_general3A_7, %get3A_10 : vector<1x12800xf32>
    %swap3A = arith.constant 0 : index
    %swap3A_11 = arith.constant 0 : index
    %swap3A_12 = vector.load %arg6[%swap3A, %swap3A_11] : memref<1x12800xf32, #tpu.memory_space<vmem>>, vector<1x12800xf32>
    tpu.vector_store %arg6[%swap3A, %swap3A_11], %add3A {strides = array<i32>} : memref<1x12800xf32, #tpu.memory_space<vmem>>, vector<1x12800xf32>,
    %mul3A = arith.constant 12800 : i32
    %mul3A_13 = arith.muli %arg0, %mul3A : i32
    %iota3A = tpu.iota {dimensions = array<i32: 1>} : vector<1x12800xi32>
    %add3A_14 = vector.broadcast %mul3A_13 : i32 to vector<1x12800xi32>
    %add3A_15 = arith.addi %add3A_14, %iota3A : vector<1x12800xi32>
    %lt3A = arith.constant 100000 : i32
    %lt3A_16 = vector.broadcast %lt3A : i32 to vector<1x12800xi32>
    %lt3A_17 = arith.cmpi slt, %add3A_15, %lt3A_16 : vector<1x12800xi32>
    %jit3A = arith.constant 0xFF800000 : f32
    %broadcast_in_dim3A = vector.broadcast %jit3A : f32 to vector<1x12800xf32>
    %select_n3A = arith.select %lt3A_17, %add3A, %broadcast_in_dim3A : vector<1x12800xi1>, vector<1x12800xf32>
    %get3A_18 = arith.constant 0 : index
    %get3A_19 = arith.constant 0 : index
    %get3A_20 = memref.load %arg9[%get3A_18, %get3A_19] : memref<1x1xf32, #tpu.memory_space<smem>>
    %reduce_max3A = vector.shape_cast %select_n3A : vector<1x12800xf32> to vector<1x1x12800xf32>
    %reduce_max3A_21 = arith.constant dense<0xFF800000> : vector<1xf32>
    %reduce_max3A_22 = vector.multi_reduction <maximumf>, %reduce_max3A, %reduce_max3A_21 [1, 2] : vector<1x1x12800xf32> to vector<1xf32>
    %reduce_max3A_23 = vector.shape_cast %reduce_max3A_22 : vector<1xf32> to vector<1x1x1xf32>
    %reduce_max3A_24 = vector.extract %reduce_max3A_23[0, 0, 0] : f32 from vector<1x1x1xf32>
    %max3A = arith.maximumf %get3A_20, %reduce_max3A_24 : f32
    %get3A_25 = arith.constant 0 : index
    %get3A_26 = arith.constant 0 : index
    %get3A_27 = memref.load %arg10[%get3A_25, %get3A_26] : memref<1x1xf32, #tpu.memory_space<smem>>
    %sub3A = arith.subf %get3A_20, %max3A : f32
    %exp3A = math.exp %sub3A : f32
    %mul3A_28 = arith.mulf %get3A_27, %exp3A : f32
    %sub3A_29 = vector.broadcast %max3A : f32 to vector<1x12800xf32>
    %sub3A_30 = arith.subf %select_n3A, %sub3A_29 : vector<1x12800xf32>
    %exp3A_31 = math.exp %sub3A_30 : vector<1x12800xf32>
    %reduce_sum3A = vector.shape_cast %exp3A_31 : vector<1x12800xf32> to vector<1x1x12800xf32>
    %reduce_sum3A_32 = arith.constant dense<0.000000e+00> : vector<1xf32>
    %reduce_sum3A_33 = vector.multi_reduction <add>, %reduce_sum3A, %reduce_sum3A_32 [1, 2] : vector<1x1x12800xf32> to vector<1xf32>
    %reduce_sum3A_34 = vector.shape_cast %reduce_sum3A_33 : vector<1xf32> to vector<1x1x1xf32>
    %reduce_sum3A_35 = vector.extract %reduce_sum3A_34[0, 0, 0] : f32 from vector<1x1x1xf32>
    %add3A_36 = arith.addf %mul3A_28, %reduce_sum3A_35 : f32
    %swap3A_37 = arith.constant 0 : index
    %swap3A_38 = arith.constant 0 : index
    %swap3A_39 = memref.load %arg9[%swap3A_37, %swap3A_38] : memref<1x1xf32, #tpu.memory_space<smem>>
    memref.store %max3A, %arg9[%swap3A_37, %swap3A_38] : memref<1x1xf32, #tpu.memory_space<smem>>
    %swap3A_40 = arith.constant 0 : index
    %swap3A_41 = arith.constant 0 : index
    %swap3A_42 = memref.load %arg10[%swap3A_40, %swap3A_41] : memref<1x1xf32, #tpu.memory_space<smem>>
    memref.store %add3A_36, %arg10[%swap3A_40, %swap3A_41] : memref<1x1xf32, #tpu.memory_space<smem>>
    %eq3A_43 = arith.constant 7 : i32
    %eq3A_44 = arith.cmpi eq, %arg0, %eq3A_43 : i32
    %convert_element_type3A_45 = arith.extui %eq3A_44 : i1 to i32
    %cond3A_46 = arith.constant 0 : i32
    %cond3A_47 = arith.cmpi ne, %convert_element_type3A_45, %cond3A_46 : i32
    scf.if %cond3A_47 {
      %log3A = math.log %add3A_36 : f32
      %add3A_48 = arith.addf %max3A, %log3A : f32
      %swap3A_49 = arith.constant 0 : index
      %swap3A_50 = arith.constant 0 : index
      %swap3A_51 = memref.load %arg7[%swap3A_49, %swap3A_50] : memref<1x1xf32, #tpu.memory_space<smem>>
      memref.store %add3A_48, %arg7[%swap3A_49, %swap3A_50] : memref<1x1xf32, #tpu.memory_space<smem>>
    } else {
    }
    return
  }
  func.func @transform_0(%arg0: i32) -> (i32, i32) {
    %c0_i32 = arith.constant 0 : i32
    %c0_i32_0 = arith.constant 0 : i32
    %c0_i32_1 = arith.constant 0 : i32
    return %c0_i32, %c0_i32_0 : i32, i32
  }
  func.func @transform_1(%arg0: i32) -> (i32, i32) {
    %c0_i32 = arith.constant 0 : i32
    %c0_i32_0 = arith.constant 0 : i32
    %c0_i32_1 = arith.constant 0 : i32
    return %c0_i32, %c0_i32_0 : i32, i32
  }
  func.func @transform_2(%arg0: i32) -> (i32, i32) {
    %c0_i32 = arith.constant 0 : i32
    %c0_i32_0 = arith.constant 0 : i32
    %c0_i32_1 = arith.constant 0 : i32
    return %c0_i32, %c0_i32_0 : i32, i32
  }
  func.func @transform_3(%arg0: i32) -> (i32, i32) {
    %c0_i32 = arith.constant 0 : i32
    %c0_i32_0 = arith.constant 0 : i32
    return %c0_i32, %arg0 : i32, i32
  }
  func.func @transform_4(%arg0: i32) -> (i32, i32) {
    %c0_i32 = arith.constant 0 : i32
    %c0_i32_0 = arith.constant 0 : i32
    return %c0_i32, %arg0 : i32, i32
  }
  func.func @transform_5(%arg0: i32) -> (i32, i32) {
    %c0_i32 = arith.constant 0 : i32
    %c0_i32_0 = arith.constant 0 : i32
    return %c0_i32, %arg0 : i32, i32
  }
  func.func @transform_6(%arg0: i32) -> (i32, i32) {
    %c0_i32 = arith.constant 0 : i32
    %c0_i32_0 = arith.constant 0 : i32
    %c0_i32_1 = arith.constant 0 : i32
    return %c0_i32, %c0_i32_0 : i32, i32
  }
}

</mosaic_0001>

<sc_bundles>
// kernel: kernel.4.cloned.1.call-start
scs
__scs_entry_jumppad:
0x0: {  	(pc) =	sbr.rel $0x88, $3  }
0x1: {  	(tag) =	ssettag $0x0;
	lr =	simm.s32 $0x1  }
0x2: {  	[smem:$0x3F9B] =	sst lr;
	_ =	strace $0xD0000000  }
0x3: {  	_ = 	snop  }
0x4: {  	_ = 	snop  }
0x5: {  	_ = 	snop  }
0x6: {  	_ = 	snop  }
0x7: {  	_ = 	snop  }
__scs_overlays_trampoline_lowered:
0x8: {  	[smem:$0x3FAA] =	sst s0  }
0x9: {  	[smem:$0x3FAB] =	sst s1  }
0xa: {  	[smem:$0x3FAC] =	sst s2  }
0xb: {  	[smem:$0x3FAD] =	sst s3  }
0xc: {  	[smem:$0x3FAE] =	sst s4  }
0xd: {  	[smem:$0x3FAF] =	sst s5  }
0xe: {  	[smem:$0x3FB0] =	sst s6  }
0xf: {  	[smem:$0x3FB1] =	sst s7  }
0x10: {  	[smem:$0x3FB2] =	sst s8  }
0x11: {  	[smem:$0x3FB3] =	sst s9;
	s0 =	simm.s32 @!p0 $0x0  }
0x12: {  	s1 =	sld [smem:$0x3F99];
	s0 =	simm.s32 @p0 $0x1  }
0x13: {  	[smem:$0x3FB4] =	sst s0;
	s0 =	simm.s32 @!p1 $0x0  }
0x14: {  	s2 =	sld [smem:$0x3F98];
	s0 =	simm.s32 @p1 $0x1  }
0x15: {  	[smem:$0x3FB5] =	sst s0;
	s0 =	simm.s32 @!p2 $0x0  }
0x16: {  	s3 =	sld [smem:$0x3FDB];
	s0 =	simm.s32 @p2 $0x1  }
0x17: {  	s4 =	simm.s32 $0x1BF5;
	[smem:$0x3FB7] =	sst s0  }
0x18: {  	s0 =	sld [smem:$0x3F9A];
	_ =	swait.ge [sflag:s4], $0x0  }
0x19: {  	s7 =	sld [smem:$0x3F9B]  }
0x1a: {  	s8 =	sadd.s32 $0xFFFFE003, lr  }
0x1b: {  	s9 =	sadd.s32 $0xFFFFFEF7, lr;
	s5 =	simm.s32 $0xFFFFFFFF;
	p2 =	slt.u32 s8, $0xFFFFF086  }
0x1c: {  	p1 =	slt.u32 s9, $0xF7A;
	s5 =	simm.s32 @!p2 $0x0  }
0x1d: {  	s5 =	simm.s32 @p1 $0x1;
	p0 =	seq.s32 s7, s2  }
0x1e: {  	s7 =	smul.u32 @!p0 $0xF7A, s2;
	p2 =	seq.s32 @!p0 s5, $0x0  }
0x1f: {  	s9 =	smul.u32 $0xF7A, s1;
	s8 =	simm.s32 @!p0 $0x1BF5;
	p2 =	por !p2, p0  }
0x20: {  	[sflag:s8] =	ssyncset.s32 @!p0 $0xFFFFF086;
	s6 =	sadd.s32 @!p0 s3, s7;
	s7 =	simm.s32 @!p0 $0x108  }
0x21: {  	s3 =	sadd.s32 s3, s9;
	s6 =	sadd.s32 @!p0 $0x88, s6;
	s7 =	simm.s32 @p2 $0x1082  }
0x22: {  	[simem:s7], [sflag:s8] =	dma.local @!p0 [hbm:s6], $0xF7A  }
0x23: {  	s9 =	sor.u32 $0xD0000000, s2;
	s6 =	simm.s32 $0x108;
	_ =	swait.ge @!p0 [sflag:s8], $0x0  }
0x24: {  	s3 =	sadd.s32 $0x88, s3;
	s6 =	simm.s32 @!p1 $0x1082;
	[sflag:s4] =	ssyncset.s32 $0xFFFFF086  }
0x25: {  	[simem:s6], [sflag:s4] =	dma.local [hbm:s3], $0xF7A  }
0x26: {  	[smem:$0x3F9B] =	sst s1;
	(tag) =	ssettag s2;
	_ =	strace s9  }
0x27: {  	s1 =	sld [smem:$0x3FAB]  }
0x28: {  	s2 =	sld [smem:$0x3FAC]  }
0x29: {  	s4 =	sld [smem:$0x3FAE]  }
0x2a: {  	p0 =	seq.s32 s5, $0x0;
	s5 =	sld [smem:$0x3FAF]  }
0x2b: {  	s6 =	sld [smem:$0x3FB0]  }
0x2c: {  	s7 =	sld [smem:$0x3FB1]  }
0x2d: {  	s3 =	simm.s32 $0x108;
	s8 =	sld [smem:$0x3FB2]  }
0x2e: {  	s3 =	simm.s32 @!p0 $0x1082;
	s9 =	sld [smem:$0x3FB3]  }
0x2f: {  	lr =	sadd.s32 s0, s3;
	s0 =	sld [smem:$0x3FAA]  }
0x30: {  	s3 =	sld [smem:$0x3FAD]  }
0x31: {  	[smem:$0x3FB6] =	sst s10  }
0x32: {  	s10 =	sld [smem:$0x3FB4];
	_ =	sdelay $0x3  }
0x33: {  	p0 =	seq.s32 s10, $0x1;
	s10 =	sld [smem:$0x3FB6];
	_ =	sdelay $0x3  }
0x34: {  	[smem:$0x3FB6] =	sst s10  }
0x35: {  	s10 =	sld [smem:$0x3FB5];
	_ =	sdelay $0x3  }
0x36: {  	p1 =	seq.s32 s10, $0x1;
	s10 =	sld [smem:$0x3FB6];
	_ =	sdelay $0x3  }
0x37: {  	[smem:$0x3FB6] =	sst s10  }
0x38: {  	s10 =	sld [smem:$0x3FB7]  }
0x39: {  	_ = 	snop;
	(pc) =	sbr.ind lr, $3  }
0x3a: {  	_ = 	snop  }
0x3b: {  	_ = 	snop  }
0x3c: {  	p2 =	seq.s32 s10, $0x1;
	s10 =	sld [smem:$0x3FB6]  }
0x3d: {  	_ =	shalt  }
0x3e: {  	_ =	shalt  }
0x3f: {  	_ =	shalt  }
0x40: {  	_ =	shalt  }
0x41: {  	_ =	shalt  }
0x42: {  	_ =	shalt  }
0x43: {  	_ =	shalt  }
0x44: {  	_ =	shalt  }
0x45: {  	_ =	shalt  }
0x46: {  	_ =	shalt  }
0x47: {  	_ =	shalt  }
0x48: {  	_ =	shalt  }
0x49: {  	_ =	shalt  }
0x4a: {  	_ =	shalt  }
0x4b: {  	_ =	shalt  }
0x4c: {  	_ =	shalt  }
0x4d: {  	_ =	shalt  }
0x4e: {  	_ =	shalt  }
0x4f: {  	_ =	shalt  }
0x50: {  	_ =	shalt  }
0x51: {  	_ =	shalt  }
0x52: {  	_ =	shalt  }
0x53: {  	_ =	shalt  }
0x54: {  	_ =	shalt  }
0x55: {  	_ =	shalt  }
0x56: {  	_ =	shalt  }
0x57: {  	_ =	shalt  }
0x58: {  	_ =	shalt  }
0x59: {  	_ =	shalt  }
0x5a: {  	_ =	shalt  }
0x5b: {  	_ =	shalt  }
0x5c: {  	_ =	shalt  }
0x5d: {  	_ =	shalt  }
0x5e: {  	_ =	shalt  }
0x5f: {  	_ =	shalt  }
0x60: {  	_ =	shalt  }
0x61: {  	_ =	shalt  }
0x62: {  	_ =	shalt  }
0x63: {  	_ =	shalt  }
0x64: {  	_ =	shalt  }
0x65: {  	_ =	shalt  }
0x66: {  	_ =	shalt  }
0x67: {  	_ =	shalt  }
0x68: {  	_ =	shalt  }
0x69: {  	_ =	shalt  }
0x6a: {  	_ =	shalt  }
0x6b: {  	_ =	shalt  }
0x6c: {  	_ =	shalt  }
0x6d: {  	_ =	shalt  }
0x6e: {  	_ =	shalt  }
0x6f: {  	_ =	shalt  }
0x70: {  	_ =	shalt  }
0x71: {  	_ =	shalt  }
0x72: {  	_ =	shalt  }
0x73: {  	_ =	shalt  }
0x74: {  	_ =	shalt  }
0x75: {  	_ =	shalt  }
0x76: {  	_ =	shalt  }
0x77: {  	_ =	shalt  }
0x78: {  	_ =	shalt  }
0x79: {  	_ =	shalt  }
0x7a: {  	_ =	shalt  }
0x7b: {  	_ =	shalt  }
0x7c: {  	_ =	shalt  }
0x7d: {  	_ =	shalt  }
0x7e: {  	_ =	shalt  }
0x7f: {  	_ =	shalt  }
0x80: {  	_ =	shalt  }
0x81: {  	_ =	shalt  }
0x82: {  	_ =	shalt  }
0x83: {  	_ =	shalt  }
0x84: {  	_ =	shalt  }
0x85: {  	_ =	shalt  }
0x86: {  	_ =	shalt  }
0x87: {  	_ =	shalt  }
.Lfunc_end0:
.L_simem_size_0:
called_computation_lowered:
.L_overlay_start_0:
0x88: {  	s2 =	sld [smem:$0x3FD9]  }
0x89: {  	s3 =	sld [smem:$0x3FFE];
	_ =	sdelay $0x1  }
0x8a: {  	s1 =	srdreg.scid  }
0x8b: {  	s0 =	sand.u32 $0x1, s1  }
0x8c: {  	s18 =	sshll.u32 s0, $0xA;
	s2 =	sadd.s32 s3, s2  }
0x8d: {  	s2 =	sadd.s32 s2, s18  }
0x8e: {  	[smem:$0x3FC2] =	sst s2  }
0x8f: {  	_ = 	snop  }
0x90: {  	s2 =	sld [smem:$0x3FC9]  }
0x91: {  	s19 =	sld [smem:$0x3FC8]  }
0x92: {  	s4 =	sld [smem:$0x3FD0];
	(tm) =	ssettm $0x1  }
0x93: {  	s5 =	sld [smem:$0x3FFB];
	_ =	sdelay $0x3  }
0x94: {  	_ =	strace s5  }
0x95: {  	s5 =	sld [smem:$0x3FFC];
	_ =	sdelay $0x3  }
0x96: {  	_ =	strace s5  }
0x97: {  	s5 =	sld [smem:$0x3FFD];
	_ =	sdelay $0x3  }
0x98: {  	_ =	strace s5  }
0x99: {  	_ =	strace $0x8FFFFFFF  }
0x9a: {  	s20 =	sld [smem:$0x3FDB];
	_ =	sdelay $0x1  }
0x9b: {  	s6 =	simm.s32 $_scs_section_size  }
0x9c: {  	s7 =	simm.s32 $_size__tile_overlayer_lowered;
	s8 =	simm.s32 $_tile_overlayer_lowered  }
0x9d: {  	s23 =	simm.s32 $0x1BFF;
	s22 =	sshll.u32 s8, $0x1;
	s5 =	sadd.s32 s6, s20  }
0x9e: {  	s9 =	simm.s32 $0x0;
	s21 =	sshll.u32 s7, $0x1;
	s7 =	sadd.s32 s22, s5  }
0x9f: {  	[timem:s9], [sflag:s23] =	dma.local [hbm:s7], s21  }
0xa0: {  	_ =	swait.ge [sflag:s23], s21  }
0xa1: {  	s6 =	ssub.s32 $0x0, s21;
	[sflag:s23] =	ssyncset.done $0x0  }
0xa2: {  	[sflag:s23] =	ssyncadd.s32 s6;
	_ =	sdelay $0x1  }
0xa3: {  	s24 =	simm.s32 $0x1B8B  }
0xa4: {  	_ =	swait.ge [sflag:s24], $0x1  }
0xa5: {  	[sflag:s24] =	ssyncset.done $0x0  }
0xa6: {  	s25 =	simm.s32 $0x1B8E;
	[sflag:s24] =	ssyncadd.s32 $0xFFFFFFFF  }
0xa7: {  	s26 =	simm.s32 $execute0_lowered;
	[smem:$0x3FD2] =	sst s25  }
0xa8: {  	s6 =	sshll.u32 s26, $0x1;
	_ =	strace $0x80000046;
	[dreg:$0x1] =	wrdreg $0xFFFFFFFF  }
0xa9: {  	s28 =	simm.s32 $_size_execute0_lowered;
	s5 =	sadd.s32 s5, s6;
	[dreg:$0x0] =	wrdreg $0x0  }
0xaa: {  	s6 =	sshll.u32 s28, $0x1;
	[dreg:$0x2] =	wrdreg s5  }
0xab: {  	[dreg:$0x3] =	wrdreg s6  }
0xac: {  	[dreg:$0x4] =	wrdreg $0xC0  }
0xad: {  	_ =	task [dreg:s9], $0x5FFFF  }
0xae: {  	[dreg:$0x1] =	wrdreg $0xFFFFFFFF  }
0xaf: {  	[dreg:$0x0] =	wrdreg $0x60  }
0xb0: {  	[dreg:$0x2] =	wrdreg s2  }
0xb1: {  	[dreg:$0x3] =	wrdreg s19  }
0xb2: {  	[dreg:$0x4] =	wrdreg s4  }
0xb3: {  	[dreg:$0x5] =	wrdreg $0x9  }
0xb4: {  	_ =	task.clear_ibuf [dreg:s9], $0x6FFFF;
	_ =	strace $0x90000046  }
0xb5: {  	s29 =	simm.s32 $0x9;
	_ =	strace $0x80000048  }
0xb6: {  	_ =	swait.ge [sflag:s29], $0x1  }
0xb7: {  	[sflag:s29] =	ssyncadd.s32 $0xFFFFFFFF  }
0xb8: {  	_ =	strace $0x90000048  }
0xb9: {  	_ =	sfence  }
0xba: {  	s30 =	sld [smem:$0x0];
	_ =	sdelay $0x2  }
0xbb: {  	s31 =	sshll.u32 s1, $0xD;
	s1 =	sshrl.u32 s1, $0x2  }
0xbc: {  	s3 =	sand.u32 $0x4000, s31;
	s1 =	sadd.s32 s1, s30  }
0xbd: {  	s0 =	sor.u32 s3, s0;
	s1 =	sshll.u32 s1, $0x11  }
0xbe: {  	s0 =	sor.u32 s1, s0  }
0xbf: {  	s0 =	sadd.s32 $0x8F2B, s0  }
0xc0: {  	[sflag:s0] =	ssyncadd.remote.s32 $0x1  }
0xc1: {  	_ =	sfence.sel $0xFFFF  }
0xc2: {  	[dreg:$0x0] =	wrdreg $0xFFFFFFFF;
	(pc) =	sbr.abs _section_cstart, $3  }
0xc3: {  	[dreg:$0x1] =	wrdreg $0xFFFFFFFF  }
0xc4: {  	_ =	task.clear_ibuf [dreg:s9], $0x2FFFF;
	_ =	strace $0x9FFFFFFF  }
0xc5: {  	(tm) =	ssettm $0x7FFFFFFF  }
tec
execute0_lowered:
.L_overlay_start_1:
0x0: {  	(tag) =	ssettag $0x1  }
0x1: {  	s1 =	srdreg.scid;
	s0 =	stileid.u32  }
0x2: {  	s6 =	sand.u32 $0x1, s1;
	s5 =	sshll.u32 s0, $0x1  }
0x3: {  	s10 =	sor.u32 s6, s5  }
0x4: {  	p0 =	sgt.u32 s10, $0x18  }
.Ltmp0:
0x5: {  	s4 =	rddreg [dreg:$0x0];
	(pc) =	sbr.rel @p0 .LBB2_4-.Ltmp0, $4  }
0x6: {  	s2 =	rddreg [dreg:$0x1]  }
0x7: {  	s9 =	rddreg [dreg:$0x2];
	s3 =	simm.s32 $0x0  }
0x8: {  	[smem:$0x7FF] =	sst s3  }
0x9: {  	s1 =	rddreg [dreg:$0x3];
	_ =	strace $0x80000047  }
0xa: {  	s5 =	sadd.s32 s4, s10;
	s4 =	simm.s32 $0x2;
	s11 =	ssub.s32 $0x2, s6  }
0xb: {  	[tilespmem:s3], [sflag:$0x2] =	stream.linear.gather [hbm4b:s5+s3], $0x8, $0x38;
	[tilespmem:$0x480] =	vst v63  }
0xc: {  	s6 =	simm.s32 $0x8;
	s12 =	sshrl.u32 s11, $0x1;
	_ =	swait.ge [sflag:s4], $0x8  }
0xd: {  	s7 =	simm.s32 $0x80;
	s11 =	ssub.s32 s11, s12;
	[sflag:s4] =	ssyncset.done $0x0  }
0xe: {  	s8 =	simm.s32 $0x1;
	s31 =	smax.u32 s11, $0x1;
	[sflag:s4] =	ssyncadd.s32 $0xFFFFFFF8  }
0xf: {  	[tilespmem:s7], [sflag:$0x1] =	stream.indirect.gather [hbm4b:s2+s6], $0x80, s3, s6, $0xb8;
	[tilespmem:$0x480] =	vst v63  }
0x10: {  	p0 =	sne.s32 s31, $0x1;
	_ =	swait.ge [sflag:s8], $0x400  }
.Ltmp1:
0x11: {  	s30 =	sshll.u32 s10, $0x7;
	[sflag:s8] =	ssyncset.done $0x0;
	(pc) =	sbr.rel @!p0 .LBB2_3-.Ltmp1, $4  }
0x12: {  	s9 =	sadd.s32 s9, s30;
	[sflag:s8] =	ssyncadd.s32 $0xFFFFFC00  }
0x13: {  	[hbm4b:s9+s3] =	stream.linear.scatter [tilespmem:s7], [sflag:$0x2], $0x400, $0x38;
	[tilespmem:$0x480] =	vst v63  }
0x14: {  	_ =	swait.ge [sflag:s4], $0x400  }
0x15: {  	s10 =	sadd.s32 $0xFFFFFFFF, s31;
	[sflag:s4] =	ssyncset.done $0x0  }
.LBB2_2:
0x16: {  	p0 =	sne.s32 s10, $0x1;
	s10 =	sadd.s32 $0xFFFFFFFF, s10;
	[sflag:s4] =	ssyncadd.s32 $0xFFFFFC00  }
0x17: {  	[tilespmem:s3], [sflag:$0x2] =	stream.linear.gather [hbm4b:s5+s3], $0x8, $0x38;
	[tilespmem:$0x480] =	vst v63  }
0x18: {  	_ =	swait.ge [sflag:s4], $0x8  }
0x19: {  	[sflag:s4] =	ssyncset.done $0x0  }
0x1a: {  	[sflag:s4] =	ssyncadd.s32 $0xFFFFFFF8  }
0x1b: {  	[tilespmem:s7], [sflag:$0x1] =	stream.indirect.gather [hbm4b:s2+s6], $0x80, s3, s6, $0xb8;
	[tilespmem:$0x480] =	vst v63  }
0x1c: {  	_ =	swait.ge [sflag:s8], $0x400  }
.Ltmp2:
0x1d: {  	[sflag:s8] =	ssyncset.done $0x0;
	(pc) =	sbr.rel @p0 .LBB2_2-.Ltmp2, $4  }
0x1e: {  	[sflag:s8] =	ssyncadd.s32 $0xFFFFFC00  }
0x1f: {  	[hbm4b:s9+s3] =	stream.linear.scatter [tilespmem:s7], [sflag:$0x2], $0x400, $0x38;
	[tilespmem:$0x480] =	vst v63  }
0x20: {  	_ =	swait.ge [sflag:s4], $0x400  }
0x21: {  	[sflag:s4] =	ssyncset.done $0x0  }
.LBB2_3:
0x22: {  	[sflag:s4] =	ssyncadd.s32 $0xFFFFFC00  }
.LBB2_4:
0x23: {  	_ =	sfence.sel $0x180000  }
0x24: {  	[bflag:$0x0] =	sbarrier.arrive $0xFFFF  }
0x25: {  	p0 =	sne.s32 s0, $0x0;
	_ =	strace $0x90000047  }
0x26: {  	s0 =	sadd.s32 @!p0 $0x100000, s1;
	[bflag:$0x2] =	sbarrier.arrive $0xFFFF  }
0x27: {  	[sflag:s0] =	ssyncadd.tile.s32 @!p0 $0x1;
	_ =	shalt  }
.Lfunc_end2:
_tile_overlayer_lowered:
.L_overlay_start_2:
0x28: {  	(tag) =	ssettag $0x2  }
0x29: {  	s0 =	rddreg [dreg:$0x0];
	s2 =	stileid.u32  }
0x2a: {  	s1 =	rddreg [dreg:$0x1];
	p0 =	sne.s32 s2, $0x0  }
0x2b: {  	s3 =	rddreg [dreg:$0x2];
	[bflag:$0x3] =	sbarrier.arrive $0xFFFF;
	s2 =	simm.s32 @!p0 $0x1C02  }
0x2c: {  	[timem:s3], [sflag:s2] =	dma.local @!p0 [hbm:s0], s1  }
0x2d: {  	s0 =	simm.s32 @!p0 $0x2  }
0x2e: {  	_ =	swait.ge @!p0 [sflag:s0], s1  }
0x2f: {  	s1 =	ssub.s32 @!p0 $0x0, s1;
	[sflag:s0] =	ssyncset.done @!p0 $0x0  }
0x30: {  	[sflag:s0] =	ssyncadd.s32 @!p0 s1  }
0x31: {  	[bflag:$0x3] =	sbarrier.arrive $0xFFFF  }
0x32: {  	_ =	shalt  }

</sc_bundles>
